<compile_context>
chip_gen: v7x
topology: tpu7x:2x2x1
jax: 0.10.2.dev20260603
libtpu: 0.0.44.dev20260713+nightly
codegen_flags: <defaults>
</compile_context>

<pallas_src>
import functools

import jax
import jax.numpy as jnp
from jax import lax
from jax.experimental import pallas as pl
from jax.experimental.pallas import tpu as pltpu
from jax.experimental.pallas import tpu_sc as plsc

B = 16384
EMB = 128
ND = 1000
RB = 512


def _sc_gather(idx, table):
    info = plsc.get_sparse_core_info()
    nc, ns = info.num_cores, info.num_subcores
    nw = nc * ns
    bpw = B // nw
    mesh = plsc.VectorSubcoreMesh(core_axis_name="c", subcore_axis_name="s")

    @functools.partial(
        pl.kernel,
        mesh=mesh,
        out_type=jax.ShapeDtypeStruct((B, EMB), jnp.float32),
        scratch_types=[
            pltpu.VMEM((bpw,), jnp.int32),
            pltpu.VMEM((bpw, EMB), jnp.float32),
            pltpu.SemaphoreType.DMA,
        ],
    )
    def k(idx_hbm, table_hbm, out_hbm, idx_v, rows_v, sem):
        wid = lax.axis_index("s") * nc + lax.axis_index("c")
        base = wid * bpw
        pltpu.sync_copy(idx_hbm.at[pl.ds(base, bpw)], idx_v)
        pltpu.async_copy(table_hbm.at[idx_v], rows_v, sem).wait()
        pltpu.sync_copy(rows_v, out_hbm.at[pl.ds(base, bpw)])

    return k(idx, table)


def _tc_body(g_ref, gum_ref, gW1_ref, gb1_ref, gW2_ref, gb2_ref, demb_ref,
             dW1a_ref, dW1b_ref, db1_ref, dW2_ref, db2_ref,
             scores_ref, didx_ref, out_ref):
    g = g_ref[...]
    h = jnp.dot(g, gW1_ref[...], preferred_element_type=jnp.float32)
    h = h + gb1_ref[...]
    h = jnp.where(h >= 0, h, 0.01 * h)
    z = jnp.dot(h, gW2_ref[...], preferred_element_type=jnp.float32)
    z = z + gb2_ref[...]
    m = jnp.max(z, axis=-1, keepdims=True)
    e = jnp.exp(z - m)
    s = jnp.sum(e, axis=-1, keepdims=True)
    scores_ref[...] = e / s
    y = (z - m) - jnp.log(s) + gum_ref[...]
    ymax = jnp.max(y, axis=-1, keepdims=True)
    ii = lax.broadcasted_iota(jnp.int32, (RB, ND), 1)
    idx = jnp.min(jnp.where(y == ymax, ii, ND), axis=-1)
    didx_ref[...] = idx
    onehot = (ii == idx[:, None]).astype(jnp.float32)
    de = jnp.dot(onehot, demb_ref[...], preferred_element_type=jnp.float32)
    a = (jnp.dot(g, dW1a_ref[...], preferred_element_type=jnp.float32)
         + jnp.dot(de, dW1b_ref[...], preferred_element_type=jnp.float32)
         + db1_ref[...])
    d1 = 1.0 / (1.0 + jnp.exp(-a))
    o = jnp.dot(d1, dW2_ref[...], preferred_element_type=jnp.float32)
    o = o + db2_ref[...]
    out_ref[...] = 1.0 / (1.0 + jnp.exp(-o))


def kernel(drug_idx, drug_emb, disease_emb, gW1, gb1, gW2, gb2, dW1, db1, dW2, db2):
    g = _sc_gather(drug_idx, drug_emb)
    gum = jax.random.gumbel(jax.random.key(42), (B, ND), jnp.float32)

    grid = (B // RB,)
    full = lambda r, c: pl.BlockSpec((r, c), lambda i: (0, 0))
    scores, didx, out = pl.pallas_call(
        _tc_body,
        grid=grid,
        in_specs=[
            pl.BlockSpec((RB, EMB), lambda i: (i, 0)),
            pl.BlockSpec((RB, ND), lambda i: (i, 0)),
            full(EMB, 256),
            full(1, 256),
            full(256, ND),
            full(1, ND),
            full(ND, EMB),
            full(EMB, 64),
            full(EMB, 64),
            full(1, 64),
            full(64, 1),
            full(1, 1),
        ],
        out_specs=[
            pl.BlockSpec((RB, ND), lambda i: (i, 0)),
            pl.BlockSpec((RB,), lambda i: (i,)),
            pl.BlockSpec((RB, 1), lambda i: (i, 0)),
        ],
        out_shape=[
            jax.ShapeDtypeStruct((B, ND), jnp.float32),
            jax.ShapeDtypeStruct((B,), jnp.int32),
            jax.ShapeDtypeStruct((B, 1), jnp.float32),
        ],
    )(g, gum, gW1, gb1.reshape(1, 256), gW2, gb2.reshape(1, ND),
      disease_emb, dW1[:EMB], dW1[EMB:], db1.reshape(1, 64),
      dW2, db2.reshape(1, 1))
    return (out, scores, didx)

# --- scband reference (transcript-rebuilt; emitter-appended) ---
"""Pipeline reference for scband-gan-48043504173447 (READ-ONLY COPY).

The authoritative reference and input builder live on the scoring server;
editing this copy changes nothing except your own understanding.
"""

import jax, jax.numpy as jnp
import numpy as np

B = 16384
EMB = 128
NUM_DRUGS = 100000
NUM_DISEASES = 1000


def setup_inputs(seed: int = 0) -> dict:
    key = jax.random.key(seed)
    ks = jax.random.split(key, 12)
    drug_idx = jax.random.randint(ks[0], (B,), 0, NUM_DRUGS)
    # learned embedding tables (stand-in for trained MetaPath2Vec embedder)
    drug_emb = jax.random.normal(ks[1], (NUM_DRUGS, EMB), dtype=jnp.float32) * 0.02
    disease_emb = jax.random.normal(ks[2], (NUM_DISEASES, EMB), dtype=jnp.float32) * 0.02
    # generator MLP: emb -> 256 -> num_diseases
    gW1 = jax.random.normal(ks[3], (EMB, 256), dtype=jnp.float32) * (1.0 / np.sqrt(EMB))
    gb1 = jnp.zeros((256,), dtype=jnp.float32)
    gW2 = jax.random.normal(ks[4], (256, NUM_DISEASES), dtype=jnp.float32) * (1.0 / np.sqrt(256))
    gb2 = jnp.zeros((NUM_DISEASES,), dtype=jnp.float32)
    # discriminator MLP: 2*emb -> 64 -> 1
    dW1 = jax.random.normal(ks[5], (2 * EMB, 64), dtype=jnp.float32) * (1.0 / np.sqrt(2 * EMB))
    db1 = jnp.zeros((64,), dtype=jnp.float32)
    dW2 = jax.random.normal(ks[6], (64, 1), dtype=jnp.float32) * (1.0 / np.sqrt(64))
    db2 = jnp.zeros((1,), dtype=jnp.float32)
    return {
        'drug_idx': drug_idx,
        'drug_emb': drug_emb,
        'disease_emb': disease_emb,
        'gW1': gW1, 'gb1': gb1, 'gW2': gW2, 'gb2': gb2,
        'dW1': dW1, 'db1': db1, 'dW2': dW2, 'db2': db2,
    }


def reference(drug_idx, drug_emb, disease_emb, gW1, gb1, gW2, gb2, dW1, db1, dW2, db2):
    # ---- Generator.forward ----
    g = jnp.take(drug_emb, drug_idx, axis=0)                      # [B, EMB] gather
    h = jax.nn.leaky_relu(g @ gW1 + gb1, negative_slope=0.01)     # [B, 256]
    scores = jax.nn.softmax(h @ gW2 + gb2, axis=-1)               # [B, NUM_DISEASES]
    # torch.multinomial(scores, num_samples=1).squeeze() -> categorical sample
    disease_idx = jax.random.categorical(jax.random.key(42), jnp.log(scores + 1e-12), axis=-1)  # [B]
    # ---- Discriminator.forward on fake edges ----
    de = jnp.take(disease_emb, disease_idx, axis=0)               # [B, EMB] gather
    x = jnp.concatenate([g, de], axis=1)                          # [B, 2*EMB]
    d1 = jax.nn.sigmoid(x @ dW1 + db1)                            # [B, 64]
    out = jax.nn.sigmoid(d1 @ dW2 + db2)                          # [B, 1]
    return (out, scores, disease_idx)

if __name__ == "__main__":
    import jax
    _d = setup_inputs()
    print(jax.jit(kernel)(*tuple(_d.values())))

</pallas_src>

<mosaic_0001>
#map = affine_map<(d0, d1) -> (0)>
#map1 = affine_map<(d0, d1) -> (0, 0)>
module attributes {stable_mosaic.version = 14 : i64} {
  func.func @k(%arg0: i32, %arg1: i32, %arg2: memref<16384xi32, #tpu.memory_space<hbm>>, %arg3: memref<100000x128xf32, #tpu.memory_space<hbm>>, %arg4: memref<16384x128xf32, #tpu.memory_space<hbm>>, %arg5: memref<512xi32, #tpu.memory_space<vmem>>, %arg6: memref<512x128xf32, #tpu.memory_space<vmem>>, %arg7: memref<!tpu.dma_semaphore, #tpu.memory_space<semaphore_mem>>) attributes {dimension_semantics = [#tpu.dimension_semantics<core_parallel>, #tpu.dimension_semantics<subcore_parallel>], iteration_bounds = array<i64: 2, 16>, scalar_prefetch = 0 : i64, scratch_operands = 3 : i64, tpu.core_type = #tpu.core_type<sc_vector_subcore>, window_params = [{transform_indices = #map}, {transform_indices = #map1}, {transform_indices = #map1}]} {
    %mul3A = arith.constant 2 : i32
    %mul3A_0 = arith.muli %arg1, %mul3A : i32
    %add3A = arith.addi %mul3A_0, %arg0 : i32
    %mul3A_1 = arith.constant 512 : i32
    %mul3A_2 = arith.muli %add3A, %mul3A_1 : i32
    "tpu.region"() ({
      %run_scoped3A = tpu.sem_alloc : memref<!tpu.dma_semaphore, #tpu.memory_space<semaphore_mem>>
      %dma_start3A_7 = tpu.memref_slice %arg2[%mul3A_2] : memref<16384xi32, #tpu.memory_space<hbm>> -> memref<512xi32, #tpu.memory_space<hbm>>
      %dma_start3A_8 = tpu.memref_slice %arg2[%mul3A_2] : memref<16384xi32, #tpu.memory_space<hbm>> -> memref<512xi32, #tpu.memory_space<hbm>>
      tpu.enqueue_dma source(%dma_start3A_8 : memref<512xi32, #tpu.memory_space<hbm>>) target(%arg5 : memref<512xi32, #tpu.memory_space<vmem>>) target_semaphore(%run_scoped3A : memref<!tpu.dma_semaphore, #tpu.memory_space<semaphore_mem>>)
      %dma_wait3A_9 = tpu.memref_slice %arg2[%mul3A_2] : memref<16384xi32, #tpu.memory_space<hbm>> -> memref<512xi32, #tpu.memory_space<hbm>>
      %dma_wait3A_10 = tpu.memref_slice %arg2[%mul3A_2] : memref<16384xi32, #tpu.memory_space<hbm>> -> memref<512xi32, #tpu.memory_space<hbm>>
      tpu.wait_dma2 semaphore(%run_scoped3A : memref<!tpu.dma_semaphore, #tpu.memory_space<semaphore_mem>>) src(%dma_wait3A_10 : memref<512xi32, #tpu.memory_space<hbm>>) dst(%arg5 : memref<512xi32, #tpu.memory_space<vmem>>)
      tpu.yield
    }) : () -> ()
    %dma_start3A = arith.constant 0 : i32
    %dma_start3A_3 = arith.constant 0 : i32
    %dma_start3A_4 = tpu.memref_slice %arg3[%dma_start3A, %dma_start3A_3] : memref<100000x128xf32, #tpu.memory_space<hbm>> -> memref<100000x128xf32, #tpu.memory_space<hbm>>
    tpu.enqueue_indirect_dma source(%dma_start3A_4 : memref<100000x128xf32, #tpu.memory_space<hbm>>) target(%arg6 : memref<512x128xf32, #tpu.memory_space<vmem>>) offsets(%arg5 : memref<512xi32, #tpu.memory_space<vmem>>) semaphore(%arg7 : memref<!tpu.dma_semaphore, #tpu.memory_space<semaphore_mem>>)
    %dma_wait3A = arith.constant 0 : i32
    %dma_wait3A_5 = arith.constant 0 : i32
    %dma_wait3A_6 = tpu.memref_slice %arg3[%dma_wait3A, %dma_wait3A_5] : memref<100000x128xf32, #tpu.memory_space<hbm>> -> memref<100000x128xf32, #tpu.memory_space<hbm>>
    tpu.wait_indirect_dma semaphore(%arg7 : memref<!tpu.dma_semaphore, #tpu.memory_space<semaphore_mem>>) src(%dma_wait3A_6 : memref<100000x128xf32, #tpu.memory_space<hbm>>) dst(%arg6 : memref<512x128xf32, #tpu.memory_space<vmem>>)
    "tpu.region"() ({
      %run_scoped3A = tpu.sem_alloc : memref<!tpu.dma_semaphore, #tpu.memory_space<semaphore_mem>>
      %dma_start3A_7 = arith.constant 0 : i32
      %dma_start3A_8 = tpu.memref_slice %arg4[%mul3A_2, %dma_start3A_7] : memref<16384x128xf32, #tpu.memory_space<hbm>> -> memref<512x128xf32, #tpu.memory_space<hbm>>
      %dma_start3A_9 = arith.constant 0 : i32
      %dma_start3A_10 = tpu.memref_slice %arg4[%mul3A_2, %dma_start3A_9] : memref<16384x128xf32, #tpu.memory_space<hbm>> -> memref<512x128xf32, #tpu.memory_space<hbm>>
      tpu.enqueue_dma source(%arg6 : memref<512x128xf32, #tpu.memory_space<vmem>>) target(%dma_start3A_10 : memref<512x128xf32, #tpu.memory_space<hbm>>) target_semaphore(%run_scoped3A : memref<!tpu.dma_semaphore, #tpu.memory_space<semaphore_mem>>)
      %dma_wait3A_11 = arith.constant 0 : i32
      %dma_wait3A_12 = tpu.memref_slice %arg4[%mul3A_2, %dma_wait3A_11] : memref<16384x128xf32, #tpu.memory_space<hbm>> -> memref<512x128xf32, #tpu.memory_space<hbm>>
      %dma_wait3A_13 = arith.constant 0 : i32
      %dma_wait3A_14 = tpu.memref_slice %arg4[%mul3A_2, %dma_wait3A_13] : memref<16384x128xf32, #tpu.memory_space<hbm>> -> memref<512x128xf32, #tpu.memory_space<hbm>>
      tpu.wait_dma2 semaphore(%run_scoped3A : memref<!tpu.dma_semaphore, #tpu.memory_space<semaphore_mem>>) src(%arg6 : memref<512x128xf32, #tpu.memory_space<vmem>>) dst(%dma_wait3A_14 : memref<512x128xf32, #tpu.memory_space<hbm>>)
      tpu.yield
    }) : () -> ()
    return
  }
}

module attributes {stable_mosaic.version = 14 : i64} {
  func.func @_tc_body(%arg0: i32, %arg1: memref<512x128xf32, #tpu.memory_space<vmem>>, %arg2: memref<512x1000xf32, #tpu.memory_space<vmem>>, %arg3: memref<128x256xf32, #tpu.memory_space<vmem>>, %arg4: memref<1x256xf32, #tpu.memory_space<vmem>>, %arg5: memref<256x1000xf32, #tpu.memory_space<vmem>>, %arg6: memref<1x1000xf32, #tpu.memory_space<vmem>>, %arg7: memref<1000x128xf32, #tpu.memory_space<vmem>>, %arg8: memref<128x64xf32, #tpu.memory_space<vmem>>, %arg9: memref<128x64xf32, #tpu.memory_space<vmem>>, %arg10: memref<1x64xf32, #tpu.memory_space<vmem>>, %arg11: memref<64x1xf32, #tpu.memory_space<vmem>>, %arg12: memref<1x1xf32, #tpu.memory_space<vmem>>, %arg13: memref<512x1000xf32, #tpu.memory_space<vmem>>, %arg14: memref<512xi32, #tpu.memory_space<vmem>>, %arg15: memref<512x1xf32, #tpu.memory_space<vmem>>) attributes {dimension_semantics = [#tpu.dimension_semantics<arbitrary>], iteration_bounds = array<i64: 32>, scalar_prefetch = 0 : i64, scratch_operands = 0 : i64, tpu.core_type = #tpu.core_type<tc>, window_params = [{transform_indices = @transform_0, window_bounds = array<i64: 512, 128>}, {transform_indices = @transform_1, window_bounds = array<i64: 512, 1000>}, {pipeline_mode = #tpu.pipeline_mode<synchronous>, transform_indices = @transform_2, window_bounds = array<i64: 128, 256>}, {pipeline_mode = #tpu.pipeline_mode<synchronous>, transform_indices = @transform_3, window_bounds = array<i64: 1, 256>}, {pipeline_mode = #tpu.pipeline_mode<synchronous>, transform_indices = @transform_4, window_bounds = array<i64: 256, 1000>}, {pipeline_mode = #tpu.pipeline_mode<synchronous>, transform_indices = @transform_5, window_bounds = array<i64: 1, 1000>}, {pipeline_mode = #tpu.pipeline_mode<synchronous>, transform_indices = @transform_6, window_bounds = array<i64: 1000, 128>}, {pipeline_mode = #tpu.pipeline_mode<synchronous>, transform_indices = @transform_7, window_bounds = array<i64: 128, 64>}, {pipeline_mode = #tpu.pipeline_mode<synchronous>, transform_indices = @transform_8, window_bounds = array<i64: 128, 64>}, {pipeline_mode = #tpu.pipeline_mode<synchronous>, transform_indices = @transform_9, window_bounds = array<i64: 1, 64>}, {pipeline_mode = #tpu.pipeline_mode<synchronous>, transform_indices = @transform_10, window_bounds = array<i64: 64, 1>}, {pipeline_mode = #tpu.pipeline_mode<synchronous>, transform_indices = @transform_11, window_bounds = array<i64: 1, 1>}, {transform_indices = @transform_12, window_bounds = array<i64: 512, 1000>}, {transform_indices = @transform_13, window_bounds = array<i64: 512>}, {transform_indices = @transform_14, window_bounds = array<i64: 512, 1>}]} {
    %get3A = arith.constant 0 : index
    %get3A_0 = arith.constant 0 : index
    %get3A_1 = vector.load %arg1[%get3A, %get3A_0] : memref<512x128xf32, #tpu.memory_space<vmem>>, vector<512x128xf32>
    %get3A_2 = arith.constant 0 : index
    %get3A_3 = arith.constant 0 : index
    %get3A_4 = vector.load %arg3[%get3A_2, %get3A_3] : memref<128x256xf32, #tpu.memory_space<vmem>>, vector<128x256xf32>
    %dot_general3A = arith.constant dense<0.000000e+00> : vector<512x256xf32>
    %dot_general3A_5 = tpu.matmul %get3A_1, %get3A_4, %dot_general3A {dimension_numbers = #tpu.dot_dimension_numbers<[1], [0], [0], [1], [0, 0, 1, 1], [], []>, transpose_lhs_hint = false} : vector<512x128xf32>, vector<128x256xf32>, vector<512x256xf32> -> vector<512x256xf32>
    %get3A_6 = arith.constant 0 : index
    %get3A_7 = arith.constant 0 : index
    %get3A_8 = vector.load %arg4[%get3A_6, %get3A_7] : memref<1x256xf32, #tpu.memory_space<vmem>>, vector<1x256xf32>
    %add3A = vector.broadcast %get3A_8 : vector<1x256xf32> to vector<512x256xf32>
    %add3A_9 = arith.addf %dot_general3A_5, %add3A : vector<512x256xf32>
    %ge3A = arith.constant 0.000000e+00 : f32
    %ge3A_10 = vector.broadcast %ge3A : f32 to vector<512x256xf32>
    %ge3A_11 = arith.cmpf oge, %add3A_9, %ge3A_10 : vector<512x256xf32>
    %mul3A = arith.constant 0.00999999977 : f32
    %mul3A_12 = vector.broadcast %mul3A : f32 to vector<512x256xf32>
    %mul3A_13 = arith.mulf %mul3A_12, %add3A_9 : vector<512x256xf32>
    %select_n3A = arith.select %ge3A_11, %add3A_9, %mul3A_13 : vector<512x256xi1>, vector<512x256xf32>
    %get3A_14 = arith.constant 0 : index
    %get3A_15 = arith.constant 0 : index
    %get3A_16 = vector.load %arg5[%get3A_14, %get3A_15] : memref<256x1000xf32, #tpu.memory_space<vmem>>, vector<256x1000xf32>
    %dot_general3A_17 = arith.constant dense<0.000000e+00> : vector<512x1000xf32>
    %dot_general3A_18 = tpu.matmul %select_n3A, %get3A_16, %dot_general3A_17 {dimension_numbers = #tpu.dot_dimension_numbers<[1], [0], [0], [1], [0, 0, 1, 1], [], []>, transpose_lhs_hint = false} : vector<512x256xf32>, vector<256x1000xf32>, vector<512x1000xf32> -> vector<512x1000xf32>
    %get3A_19 = arith.constant 0 : index
    %get3A_20 = arith.constant 0 : index
    %get3A_21 = vector.load %arg6[%get3A_19, %get3A_20] : memref<1x1000xf32, #tpu.memory_space<vmem>>, vector<1x1000xf32>
    %add3A_22 = vector.broadcast %get3A_21 : vector<1x1000xf32> to vector<512x1000xf32>
    %add3A_23 = arith.addf %dot_general3A_18, %add3A_22 : vector<512x1000xf32>
    %reduce_max3A = arith.constant dense<0xFF800000> : vector<512xf32>
    %reduce_max3A_24 = vector.multi_reduction <maximumf>, %add3A_23, %reduce_max3A [1] : vector<512x1000xf32> to vector<512xf32>
    %broadcast_in_dim3A = vector.shape_cast %reduce_max3A_24 : vector<512xf32> to vector<512x1xf32>
    %sub3A = vector.broadcast %broadcast_in_dim3A : vector<512x1xf32> to vector<512x1000xf32>
    %sub3A_25 = arith.subf %add3A_23, %sub3A : vector<512x1000xf32>
    %exp3A = math.exp %sub3A_25 : vector<512x1000xf32>
    %reduce_sum3A = arith.constant dense<0.000000e+00> : vector<512xf32>
    %reduce_sum3A_26 = vector.multi_reduction <add>, %exp3A, %reduce_sum3A [1] : vector<512x1000xf32> to vector<512xf32>
    %broadcast_in_dim3A_27 = vector.shape_cast %reduce_sum3A_26 : vector<512xf32> to vector<512x1xf32>
    %div3A = vector.broadcast %broadcast_in_dim3A_27 : vector<512x1xf32> to vector<512x1000xf32>
    %div3A_28 = arith.divf %exp3A, %div3A : vector<512x1000xf32>
    %swap3A = arith.constant 0 : index
    %swap3A_29 = arith.constant 0 : index
    %swap3A_30 = vector.load %arg13[%swap3A, %swap3A_29] : memref<512x1000xf32, #tpu.memory_space<vmem>>, vector<512x1000xf32>
    tpu.vector_store %arg13[%swap3A, %swap3A_29], %div3A_28 {strides = array<i32>} : memref<512x1000xf32, #tpu.memory_space<vmem>>, vector<512x1000xf32>,
    %sub3A_31 = vector.broadcast %broadcast_in_dim3A : vector<512x1xf32> to vector<512x1000xf32>
    %sub3A_32 = arith.subf %add3A_23, %sub3A_31 : vector<512x1000xf32>
    %log3A = math.log %broadcast_in_dim3A_27 : vector<512x1xf32>
    %sub3A_33 = vector.broadcast %log3A : vector<512x1xf32> to vector<512x1000xf32>
    %sub3A_34 = arith.subf %sub3A_32, %sub3A_33 : vector<512x1000xf32>
    %get3A_35 = arith.constant 0 : index
    %get3A_36 = arith.constant 0 : index
    %get3A_37 = vector.load %arg2[%get3A_35, %get3A_36] : memref<512x1000xf32, #tpu.memory_space<vmem>>, vector<512x1000xf32>
    %add3A_38 = arith.addf %sub3A_34, %get3A_37 : vector<512x1000xf32>
    %reduce_max3A_39 = arith.constant dense<0xFF800000> : vector<512xf32>
    %reduce_max3A_40 = vector.multi_reduction <maximumf>, %add3A_38, %reduce_max3A_39 [1] : vector<512x1000xf32> to vector<512xf32>
    %broadcast_in_dim3A_41 = vector.shape_cast %reduce_max3A_40 : vector<512xf32> to vector<512x1xf32>
    %iota3A = tpu.iota {dimensions = array<i32: 1>} : vector<512x1000xi32>
    %eq3A = vector.broadcast %broadcast_in_dim3A_41 : vector<512x1xf32> to vector<512x1000xf32>
    %eq3A_42 = arith.cmpf oeq, %add3A_38, %eq3A : vector<512x1000xf32>
    %jit3A = arith.constant 1000 : i32
    %broadcast_in_dim3A_43 = vector.broadcast %jit3A : i32 to vector<512x1000xi32>
    %select_n3A_44 = arith.select %eq3A_42, %iota3A, %broadcast_in_dim3A_43 : vector<512x1000xi1>, vector<512x1000xi32>
    %reduce_min3A = arith.constant dense<2147483647> : vector<512xi32>
    %reduce_min3A_45 = vector.multi_reduction <minsi>, %select_n3A_44, %reduce_min3A [1] : vector<512x1000xi32> to vector<512xi32>
    %swap3A_46 = arith.constant 0 : index
    %swap3A_47 = vector.load %arg14[%swap3A_46] : memref<512xi32, #tpu.memory_space<vmem>>, vector<512xi32>
    tpu.vector_store %arg14[%swap3A_46], %reduce_min3A_45 {strides = array<i32>} : memref<512xi32, #tpu.memory_space<vmem>>, vector<512xi32>,
    %broadcast_in_dim3A_48 = vector.shape_cast %reduce_min3A_45 : vector<512xi32> to vector<512x1xi32>
    %eq3A_49 = vector.broadcast %broadcast_in_dim3A_48 : vector<512x1xi32> to vector<512x1000xi32>
    %eq3A_50 = arith.cmpi eq, %iota3A, %eq3A_49 : vector<512x1000xi32>
    %convert_element_type3A = arith.extui %eq3A_50 : vector<512x1000xi1> to vector<512x1000xi32>
    %convert_element_type3A_51 = arith.sitofp %convert_element_type3A : vector<512x1000xi32> to vector<512x1000xf32>
    %get3A_52 = arith.constant 0 : index
    %get3A_53 = arith.constant 0 : index
    %get3A_54 = vector.load %arg7[%get3A_52, %get3A_53] : memref<1000x128xf32, #tpu.memory_space<vmem>>, vector<1000x128xf32>
    %dot_general3A_55 = arith.constant dense<0.000000e+00> : vector<512x128xf32>
    %dot_general3A_56 = tpu.matmul %convert_element_type3A_51, %get3A_54, %dot_general3A_55 {dimension_numbers = #tpu.dot_dimension_numbers<[1], [0], [0], [1], [0, 0, 1, 1], [], []>, transpose_lhs_hint = false} : vector<512x1000xf32>, vector<1000x128xf32>, vector<512x128xf32> -> vector<512x128xf32>
    %get3A_57 = arith.constant 0 : index
    %get3A_58 = arith.constant 0 : index
    %get3A_59 = vector.load %arg8[%get3A_57, %get3A_58] : memref<128x64xf32, #tpu.memory_space<vmem>>, vector<128x64xf32>
    %dot_general3A_60 = arith.constant dense<0.000000e+00> : vector<512x64xf32>
    %dot_general3A_61 = tpu.matmul %get3A_1, %get3A_59, %dot_general3A_60 {dimension_numbers = #tpu.dot_dimension_numbers<[1], [0], [0], [1], [0, 0, 1, 1], [], []>, transpose_lhs_hint = false} : vector<512x128xf32>, vector<128x64xf32>, vector<512x64xf32> -> vector<512x64xf32>
    %get3A_62 = arith.constant 0 : index
    %get3A_63 = arith.constant 0 : index
    %get3A_64 = vector.load %arg9[%get3A_62, %get3A_63] : memref<128x64xf32, #tpu.memory_space<vmem>>, vector<128x64xf32>
    %dot_general3A_65 = arith.constant dense<0.000000e+00> : vector<512x64xf32>
    %dot_general3A_66 = tpu.matmul %dot_general3A_56, %get3A_64, %dot_general3A_65 {dimension_numbers = #tpu.dot_dimension_numbers<[1], [0], [0], [1], [0, 0, 1, 1], [], []>, transpose_lhs_hint = false} : vector<512x128xf32>, vector<128x64xf32>, vector<512x64xf32> -> vector<512x64xf32>
    %add3A_67 = arith.addf %dot_general3A_61, %dot_general3A_66 : vector<512x64xf32>
    %get3A_68 = arith.constant 0 : index
    %get3A_69 = arith.constant 0 : index
    %get3A_70 = vector.load %arg10[%get3A_68, %get3A_69] : memref<1x64xf32, #tpu.memory_space<vmem>>, vector<1x64xf32>
    %add3A_71 = vector.broadcast %get3A_70 : vector<1x64xf32> to vector<512x64xf32>
    %add3A_72 = arith.addf %add3A_67, %add3A_71 : vector<512x64xf32>
    %neg3A = arith.constant 0.000000e+00 : f32
    %neg3A_73 = vector.broadcast %neg3A : f32 to vector<512x64xf32>
    %neg3A_74 = arith.subf %neg3A_73, %add3A_72 : vector<512x64xf32>
    %exp3A_75 = math.exp %neg3A_74 : vector<512x64xf32>
    %add3A_76 = arith.constant 1.000000e+00 : f32
    %add3A_77 = vector.broadcast %add3A_76 : f32 to vector<512x64xf32>
    %add3A_78 = arith.addf %add3A_77, %exp3A_75 : vector<512x64xf32>
    %div3A_79 = arith.constant 1.000000e+00 : f32
    %div3A_80 = vector.broadcast %div3A_79 : f32 to vector<512x64xf32>
    %div3A_81 = arith.divf %div3A_80, %add3A_78 : vector<512x64xf32>
    %get3A_82 = arith.constant 0 : index
    %get3A_83 = arith.constant 0 : index
    %get3A_84 = vector.load %arg11[%get3A_82, %get3A_83] : memref<64x1xf32, #tpu.memory_space<vmem>>, vector<64x1xf32>
    %dot_general3A_85 = arith.constant dense<0.000000e+00> : vector<512x1xf32>
    %dot_general3A_86 = tpu.matmul %div3A_81, %get3A_84, %dot_general3A_85 {dimension_numbers = #tpu.dot_dimension_numbers<[1], [0], [0], [1], [0, 0, 1, 1], [], []>, transpose_lhs_hint = false} : vector<512x64xf32>, vector<64x1xf32>, vector<512x1xf32> -> vector<512x1xf32>
    %get3A_87 = arith.constant 0 : index
    %get3A_88 = arith.constant 0 : index
    %get3A_89 = vector.load %arg12[%get3A_87, %get3A_88] : memref<1x1xf32, #tpu.memory_space<vmem>>, vector<1x1xf32>
    %add3A_90 = vector.broadcast %get3A_89 : vector<1x1xf32> to vector<512x1xf32>
    %add3A_91 = arith.addf %dot_general3A_86, %add3A_90 : vector<512x1xf32>
    %neg3A_92 = arith.constant 0.000000e+00 : f32
    %neg3A_93 = vector.broadcast %neg3A_92 : f32 to vector<512x1xf32>
    %neg3A_94 = arith.subf %neg3A_93, %add3A_91 : vector<512x1xf32>
    %exp3A_95 = math.exp %neg3A_94 : vector<512x1xf32>
    %add3A_96 = arith.constant 1.000000e+00 : f32
    %add3A_97 = vector.broadcast %add3A_96 : f32 to vector<512x1xf32>
    %add3A_98 = arith.addf %add3A_97, %exp3A_95 : vector<512x1xf32>
    %div3A_99 = arith.constant 1.000000e+00 : f32
    %div3A_100 = vector.broadcast %div3A_99 : f32 to vector<512x1xf32>
    %div3A_101 = arith.divf %div3A_100, %add3A_98 : vector<512x1xf32>
    %swap3A_102 = arith.constant 0 : index
    %swap3A_103 = arith.constant 0 : index
    %swap3A_104 = vector.load %arg15[%swap3A_102, %swap3A_103] : memref<512x1xf32, #tpu.memory_space<vmem>>, vector<512x1xf32>
    tpu.vector_store %arg15[%swap3A_102, %swap3A_103], %div3A_101 {strides = array<i32>} : memref<512x1xf32, #tpu.memory_space<vmem>>, vector<512x1xf32>,
    return
  }
  func.func @transform_0(%arg0: i32) -> (i32, i32) {
    %c0_i32 = arith.constant 0 : i32
    %c0_i32_0 = arith.constant 0 : i32
    return %arg0, %c0_i32 : i32, i32
  }
  func.func @transform_1(%arg0: i32) -> (i32, i32) {
    %c0_i32 = arith.constant 0 : i32
    %c0_i32_0 = arith.constant 0 : i32
    return %arg0, %c0_i32 : i32, i32
  }
  func.func @transform_2(%arg0: i32) -> (i32, i32) {
    %c0_i32 = arith.constant 0 : i32
    %c0_i32_0 = arith.constant 0 : i32
    %c0_i32_1 = arith.constant 0 : i32
    return %c0_i32, %c0_i32_0 : i32, i32
  }
  func.func @transform_3(%arg0: i32) -> (i32, i32) {
    %c0_i32 = arith.constant 0 : i32
    %c0_i32_0 = arith.constant 0 : i32
    %c0_i32_1 = arith.constant 0 : i32
    return %c0_i32, %c0_i32_0 : i32, i32
  }
  func.func @transform_4(%arg0: i32) -> (i32, i32) {
    %c0_i32 = arith.constant 0 : i32
    %c0_i32_0 = arith.constant 0 : i32
    %c0_i32_1 = arith.constant 0 : i32
    return %c0_i32, %c0_i32_0 : i32, i32
  }
  func.func @transform_5(%arg0: i32) -> (i32, i32) {
    %c0_i32 = arith.constant 0 : i32
    %c0_i32_0 = arith.constant 0 : i32
    %c0_i32_1 = arith.constant 0 : i32
    return %c0_i32, %c0_i32_0 : i32, i32
  }
  func.func @transform_6(%arg0: i32) -> (i32, i32) {
    %c0_i32 = arith.constant 0 : i32
    %c0_i32_0 = arith.constant 0 : i32
    %c0_i32_1 = arith.constant 0 : i32
    return %c0_i32, %c0_i32_0 : i32, i32
  }
  func.func @transform_7(%arg0: i32) -> (i32, i32) {
    %c0_i32 = arith.constant 0 : i32
    %c0_i32_0 = arith.constant 0 : i32
    %c0_i32_1 = arith.constant 0 : i32
    return %c0_i32, %c0_i32_0 : i32, i32
  }
  func.func @transform_8(%arg0: i32) -> (i32, i32) {
    %c0_i32 = arith.constant 0 : i32
    %c0_i32_0 = arith.constant 0 : i32
    %c0_i32_1 = arith.constant 0 : i32
    return %c0_i32, %c0_i32_0 : i32, i32
  }
  func.func @transform_9(%arg0: i32) -> (i32, i32) {
    %c0_i32 = arith.constant 0 : i32
    %c0_i32_0 = arith.constant 0 : i32
    %c0_i32_1 = arith.constant 0 : i32
    return %c0_i32, %c0_i32_0 : i32, i32
  }
  func.func @transform_10(%arg0: i32) -> (i32, i32) {
    %c0_i32 = arith.constant 0 : i32
    %c0_i32_0 = arith.constant 0 : i32
    %c0_i32_1 = arith.constant 0 : i32
    return %c0_i32, %c0_i32_0 : i32, i32
  }
  func.func @transform_11(%arg0: i32) -> (i32, i32) {
    %c0_i32 = arith.constant 0 : i32
    %c0_i32_0 = arith.constant 0 : i32
    %c0_i32_1 = arith.constant 0 : i32
    return %c0_i32, %c0_i32_0 : i32, i32
  }
  func.func @transform_12(%arg0: i32) -> (i32, i32) {
    %c0_i32 = arith.constant 0 : i32
    %c0_i32_0 = arith.constant 0 : i32
    return %arg0, %c0_i32 : i32, i32
  }
  func.func @transform_13(%arg0: i32) -> i32 {
    %c0_i32 = arith.constant 0 : i32
    return %arg0 : i32
  }
  func.func @transform_14(%arg0: i32) -> (i32, i32) {
    %c0_i32 = arith.constant 0 : i32
    %c0_i32_0 = arith.constant 0 : i32
    return %arg0, %c0_i32 : i32, i32
  }
}

</mosaic_0001>

<sc_bundles>
// kernel: kernel.4.cloned.1.call-start
scs
__scs_entry_jumppad:
0x0: {  	(pc) =	sbr.rel $0x88, $3  }
0x1: {  	(tag) =	ssettag $0x0;
	lr =	simm.s32 $0x1  }
0x2: {  	[smem:$0x3F96] =	sst lr;
	_ =	strace $0xD0000000  }
0x3: {  	_ = 	snop  }
0x4: {  	_ = 	snop  }
0x5: {  	_ = 	snop  }
0x6: {  	_ = 	snop  }
0x7: {  	_ = 	snop  }
__scs_overlays_trampoline_lowered:
0x8: {  	[smem:$0x3FA5] =	sst s0  }
0x9: {  	[smem:$0x3FA6] =	sst s1  }
0xa: {  	[smem:$0x3FA7] =	sst s2  }
0xb: {  	[smem:$0x3FA8] =	sst s3  }
0xc: {  	[smem:$0x3FA9] =	sst s4  }
0xd: {  	[smem:$0x3FAA] =	sst s5  }
0xe: {  	[smem:$0x3FAB] =	sst s6  }
0xf: {  	[smem:$0x3FAC] =	sst s7  }
0x10: {  	[smem:$0x3FAD] =	sst s8  }
0x11: {  	[smem:$0x3FAE] =	sst s9;
	s0 =	simm.s32 @!p0 $0x0  }
0x12: {  	s1 =	sld [smem:$0x3F94];
	s0 =	simm.s32 @p0 $0x1  }
0x13: {  	[smem:$0x3FAF] =	sst s0;
	s0 =	simm.s32 @!p1 $0x0  }
0x14: {  	s2 =	sld [smem:$0x3F93];
	s0 =	simm.s32 @p1 $0x1  }
0x15: {  	[smem:$0x3FB0] =	sst s0;
	s0 =	simm.s32 @!p2 $0x0  }
0x16: {  	s3 =	sld [smem:$0x3FDB];
	s0 =	simm.s32 @p2 $0x1  }
0x17: {  	s4 =	simm.s32 $0x1BF5;
	[smem:$0x3FB2] =	sst s0  }
0x18: {  	s0 =	sld [smem:$0x3F95];
	_ =	swait.ge [sflag:s4], $0x0  }
0x19: {  	s7 =	sld [smem:$0x3F96]  }
0x1a: {  	s8 =	sadd.s32 $0xFFFFE003, lr  }
0x1b: {  	s9 =	sadd.s32 $0xFFFFFEF7, lr;
	s5 =	simm.s32 $0xFFFFFFFF;
	p2 =	slt.u32 s8, $0xFFFFF086  }
0x1c: {  	p1 =	slt.u32 s9, $0xF7A;
	s5 =	simm.s32 @!p2 $0x0  }
0x1d: {  	s5 =	simm.s32 @p1 $0x1;
	p0 =	seq.s32 s7, s2  }
0x1e: {  	s7 =	smul.u32 @!p0 $0xF7A, s2;
	p2 =	seq.s32 @!p0 s5, $0x0  }
0x1f: {  	s9 =	smul.u32 $0xF7A, s1;
	s8 =	simm.s32 @!p0 $0x1BF5;
	p2 =	por !p2, p0  }
0x20: {  	[sflag:s8] =	ssyncset.s32 @!p0 $0xFFFFF086;
	s6 =	sadd.s32 @!p0 s3, s7;
	s7 =	simm.s32 @!p0 $0x108  }
0x21: {  	s3 =	sadd.s32 s3, s9;
	s6 =	sadd.s32 @!p0 $0x88, s6;
	s7 =	simm.s32 @p2 $0x1082  }
0x22: {  	[simem:s7], [sflag:s8] =	dma.local @!p0 [hbm:s6], $0xF7A  }
0x23: {  	s9 =	sor.u32 $0xD0000000, s2;
	s6 =	simm.s32 $0x108;
	_ =	swait.ge @!p0 [sflag:s8], $0x0  }
0x24: {  	s3 =	sadd.s32 $0x88, s3;
	s6 =	simm.s32 @!p1 $0x1082;
	[sflag:s4] =	ssyncset.s32 $0xFFFFF086  }
0x25: {  	[simem:s6], [sflag:s4] =	dma.local [hbm:s3], $0xF7A  }
0x26: {  	[smem:$0x3F96] =	sst s1;
	(tag) =	ssettag s2;
	_ =	strace s9  }
0x27: {  	s1 =	sld [smem:$0x3FA6]  }
0x28: {  	s2 =	sld [smem:$0x3FA7]  }
0x29: {  	s4 =	sld [smem:$0x3FA9]  }
0x2a: {  	p0 =	seq.s32 s5, $0x0;
	s5 =	sld [smem:$0x3FAA]  }
0x2b: {  	s6 =	sld [smem:$0x3FAB]  }
0x2c: {  	s7 =	sld [smem:$0x3FAC]  }
0x2d: {  	s3 =	simm.s32 $0x108;
	s8 =	sld [smem:$0x3FAD]  }
0x2e: {  	s3 =	simm.s32 @!p0 $0x1082;
	s9 =	sld [smem:$0x3FAE]  }
0x2f: {  	lr =	sadd.s32 s0, s3;
	s0 =	sld [smem:$0x3FA5]  }
0x30: {  	s3 =	sld [smem:$0x3FA8]  }
0x31: {  	[smem:$0x3FB1] =	sst s10  }
0x32: {  	s10 =	sld [smem:$0x3FAF];
	_ =	sdelay $0x3  }
0x33: {  	p0 =	seq.s32 s10, $0x1;
	s10 =	sld [smem:$0x3FB1];
	_ =	sdelay $0x3  }
0x34: {  	[smem:$0x3FB1] =	sst s10  }
0x35: {  	s10 =	sld [smem:$0x3FB0];
	_ =	sdelay $0x3  }
0x36: {  	p1 =	seq.s32 s10, $0x1;
	s10 =	sld [smem:$0x3FB1];
	_ =	sdelay $0x3  }
0x37: {  	[smem:$0x3FB1] =	sst s10  }
0x38: {  	s10 =	sld [smem:$0x3FB2]  }
0x39: {  	_ = 	snop;
	(pc) =	sbr.ind lr, $3  }
0x3a: {  	_ = 	snop  }
0x3b: {  	_ = 	snop  }
0x3c: {  	p2 =	seq.s32 s10, $0x1;
	s10 =	sld [smem:$0x3FB1]  }
0x3d: {  	_ =	shalt  }
0x3e: {  	_ =	shalt  }
0x3f: {  	_ =	shalt  }
0x40: {  	_ =	shalt  }
0x41: {  	_ =	shalt  }
0x42: {  	_ =	shalt  }
0x43: {  	_ =	shalt  }
0x44: {  	_ =	shalt  }
0x45: {  	_ =	shalt  }
0x46: {  	_ =	shalt  }
0x47: {  	_ =	shalt  }
0x48: {  	_ =	shalt  }
0x49: {  	_ =	shalt  }
0x4a: {  	_ =	shalt  }
0x4b: {  	_ =	shalt  }
0x4c: {  	_ =	shalt  }
0x4d: {  	_ =	shalt  }
0x4e: {  	_ =	shalt  }
0x4f: {  	_ =	shalt  }
0x50: {  	_ =	shalt  }
0x51: {  	_ =	shalt  }
0x52: {  	_ =	shalt  }
0x53: {  	_ =	shalt  }
0x54: {  	_ =	shalt  }
0x55: {  	_ =	shalt  }
0x56: {  	_ =	shalt  }
0x57: {  	_ =	shalt  }
0x58: {  	_ =	shalt  }
0x59: {  	_ =	shalt  }
0x5a: {  	_ =	shalt  }
0x5b: {  	_ =	shalt  }
0x5c: {  	_ =	shalt  }
0x5d: {  	_ =	shalt  }
0x5e: {  	_ =	shalt  }
0x5f: {  	_ =	shalt  }
0x60: {  	_ =	shalt  }
0x61: {  	_ =	shalt  }
0x62: {  	_ =	shalt  }
0x63: {  	_ =	shalt  }
0x64: {  	_ =	shalt  }
0x65: {  	_ =	shalt  }
0x66: {  	_ =	shalt  }
0x67: {  	_ =	shalt  }
0x68: {  	_ =	shalt  }
0x69: {  	_ =	shalt  }
0x6a: {  	_ =	shalt  }
0x6b: {  	_ =	shalt  }
0x6c: {  	_ =	shalt  }
0x6d: {  	_ =	shalt  }
0x6e: {  	_ =	shalt  }
0x6f: {  	_ =	shalt  }
0x70: {  	_ =	shalt  }
0x71: {  	_ =	shalt  }
0x72: {  	_ =	shalt  }
0x73: {  	_ =	shalt  }
0x74: {  	_ =	shalt  }
0x75: {  	_ =	shalt  }
0x76: {  	_ =	shalt  }
0x77: {  	_ =	shalt  }
0x78: {  	_ =	shalt  }
0x79: {  	_ =	shalt  }
0x7a: {  	_ =	shalt  }
0x7b: {  	_ =	shalt  }
0x7c: {  	_ =	shalt  }
0x7d: {  	_ =	shalt  }
0x7e: {  	_ =	shalt  }
0x7f: {  	_ =	shalt  }
0x80: {  	_ =	shalt  }
0x81: {  	_ =	shalt  }
0x82: {  	_ =	shalt  }
0x83: {  	_ =	shalt  }
0x84: {  	_ =	shalt  }
0x85: {  	_ =	shalt  }
0x86: {  	_ =	shalt  }
0x87: {  	_ =	shalt  }
.Lfunc_end0:
.L_simem_size_0:
called_computation_lowered:
.L_overlay_start_0:
0x88: {  	s2 =	sld [smem:$0x3FD9]  }
0x89: {  	s3 =	sld [smem:$0x3FFE];
	_ =	sdelay $0x1  }
0x8a: {  	s1 =	srdreg.scid  }
0x8b: {  	s0 =	sand.u32 $0x1, s1  }
0x8c: {  	s15 =	sshll.u32 s0, $0xA;
	s2 =	sadd.s32 s3, s2  }
0x8d: {  	s2 =	sadd.s32 s2, s15  }
0x8e: {  	[smem:$0x3FBD] =	sst s2  }
0x8f: {  	_ = 	snop  }
0x90: {  	s2 =	sld [smem:$0x3FD0];
	_ =	sdelay $0x1  }
0x91: {  	s16 =	sld [smem:$0x3FC9]  }
0x92: {  	s5 =	simm.s32 $0xA;
	s6 =	simm.s32 $0x10;
	s4 =	sld [smem:$0x3FC8]  }
0x93: {  	[smem:s6], [sflag:s5] =	dma.local [hbm:s2], $0x1  }
0x94: {  	_ =	swait.eq [sflag:s5], $0x1  }
0x95: {  	[sflag:s5] =	ssyncset.done $0x0  }
0x96: {  	[sflag:s5] =	ssyncadd.s32 $0xFFFFFFFF  }
0x97: {  	s17 =	sld [smem:$0x11];
	(tm) =	ssettm $0x1  }
0x98: {  	s18 =	sld [smem:$0x3FFB];
	_ =	sdelay $0x3  }
0x99: {  	_ =	strace s18  }
0x9a: {  	s5 =	sld [smem:$0x3FFC];
	_ =	sdelay $0x3  }
0x9b: {  	_ =	strace s5  }
0x9c: {  	s5 =	sld [smem:$0x3FFD];
	_ =	sdelay $0x3  }
0x9d: {  	_ =	strace s5  }
0x9e: {  	_ =	strace $0x8FFFFFFF  }
0x9f: {  	s19 =	sld [smem:$0x3FDB];
	_ =	sdelay $0x1  }
0xa0: {  	s20 =	simm.s32 $_scs_section_size  }
0xa1: {  	s7 =	simm.s32 $_size__tile_overlayer_lowered;
	s8 =	simm.s32 $_tile_overlayer_lowered  }
0xa2: {  	s23 =	simm.s32 $0x1BFF;
	s22 =	sshll.u32 s8, $0x1;
	s5 =	sadd.s32 s20, s19  }
0xa3: {  	s9 =	simm.s32 $0x0;
	s21 =	sshll.u32 s7, $0x1;
	s7 =	sadd.s32 s22, s5  }
0xa4: {  	[timem:s9], [sflag:s23] =	dma.local [hbm:s7], s21  }
0xa5: {  	_ =	swait.ge [sflag:s23], s21  }
0xa6: {  	s6 =	ssub.s32 $0x0, s21;
	[sflag:s23] =	ssyncset.done $0x0  }
0xa7: {  	[sflag:s23] =	ssyncadd.s32 s6;
	_ =	sdelay $0x1  }
0xa8: {  	s24 =	simm.s32 $0x1B8B  }
0xa9: {  	_ =	swait.ge [sflag:s24], $0x1  }
0xaa: {  	[sflag:s24] =	ssyncset.done $0x0  }
0xab: {  	s25 =	simm.s32 $0x1B8E;
	[sflag:s24] =	ssyncadd.s32 $0xFFFFFFFF  }
0xac: {  	s26 =	simm.s32 $execute0_lowered;
	[smem:$0x3FD2] =	sst s25  }
0xad: {  	s6 =	sshll.u32 s26, $0x1;
	_ =	strace $0x80000046;
	[dreg:$0x1] =	wrdreg $0xFFFFFFFF  }
0xae: {  	s28 =	simm.s32 $_size_execute0_lowered;
	s5 =	sadd.s32 s5, s6;
	[dreg:$0x0] =	wrdreg $0x0  }
0xaf: {  	s6 =	sshll.u32 s28, $0x1;
	[dreg:$0x2] =	wrdreg s5  }
0xb0: {  	[dreg:$0x3] =	wrdreg s6  }
0xb1: {  	[dreg:$0x4] =	wrdreg $0xC0  }
0xb2: {  	_ =	task [dreg:s9], $0x5FFFF  }
0xb3: {  	[dreg:$0x1] =	wrdreg $0xFFFFFFFF  }
0xb4: {  	[dreg:$0x0] =	wrdreg $0x60  }
0xb5: {  	[dreg:$0x2] =	wrdreg s16  }
0xb6: {  	[dreg:$0x3] =	wrdreg s4  }
0xb7: {  	[dreg:$0x4] =	wrdreg s17  }
0xb8: {  	[dreg:$0x5] =	wrdreg $0x9  }
0xb9: {  	_ =	task.clear_ibuf [dreg:s9], $0x6FFFF;
	_ =	strace $0x90000046  }
0xba: {  	s29 =	simm.s32 $0x9;
	_ =	strace $0x80000048  }
0xbb: {  	_ =	swait.ge [sflag:s29], $0x1  }
0xbc: {  	[sflag:s29] =	ssyncadd.s32 $0xFFFFFFFF  }
0xbd: {  	_ =	strace $0x90000048  }
0xbe: {  	_ =	sfence  }
0xbf: {  	s30 =	sld [smem:$0x0];
	_ =	sdelay $0x2  }
0xc0: {  	s31 =	sshll.u32 s1, $0xD;
	s1 =	sshrl.u32 s1, $0x2  }
0xc1: {  	s3 =	sand.u32 $0x4000, s31;
	s1 =	sadd.s32 s1, s30  }
0xc2: {  	s0 =	sor.u32 s3, s0;
	s1 =	sshll.u32 s1, $0x11  }
0xc3: {  	s0 =	sor.u32 s1, s0  }
0xc4: {  	s0 =	sadd.s32 $0x8F2B, s0  }
0xc5: {  	[sflag:s0] =	ssyncadd.remote.s32 $0x1  }
0xc6: {  	_ =	sfence.sel $0xFFFF  }
0xc7: {  	[dreg:$0x0] =	wrdreg $0xFFFFFFFF;
	(pc) =	sbr.abs _section_cstart, $3  }
0xc8: {  	[dreg:$0x1] =	wrdreg $0xFFFFFFFF  }
0xc9: {  	_ =	task.clear_ibuf [dreg:s9], $0x2FFFF;
	_ =	strace $0x9FFFFFFF  }
0xca: {  	(tm) =	ssettm $0x7FFFFFFF  }
0xcb: {  	_ =	shalt  }
tec
execute0_lowered:
.L_overlay_start_1:
0x0: {  	(tag) =	ssettag $0x1  }
0x1: {  	s4 =	rddreg [dreg:$0x0]  }
0x2: {  	s1 =	srdreg.scid;
	s2 =	rddreg [dreg:$0x1]  }
0x3: {  	s0 =	stileid.u32;
	s8 =	rddreg [dreg:$0x2];
	s6 =	sand.u32 $0x1, s1  }
0x4: {  	s3 =	simm.s32 $0x0;
	s5 =	sshll.u32 s0, $0xA;
	s7 =	sshll.u32 s6, $0x9  }
0x5: {  	[smem:$0x7FF] =	sst s3;
	s9 =	sor.u32 s7, s5  }
0x6: {  	s1 =	rddreg [dreg:$0x3];
	_ =	strace $0x80000047;
	s5 =	sshrl.u32 s9, $0x3  }
0x7: {  	s10 =	ssub.s32 $0x2, s6;
	s5 =	sadd.s32 s4, s5;
	s4 =	simm.s32 $0x2  }
0x8: {  	[tilespmem:s3], [sflag:$0x2] =	stream.linear.gather [hbm4b:s5+s3], $0x200, $0x38;
	[tilespmem:$0x10200] =	vst v63  }
0x9: {  	s11 =	sshrl.u32 s10, $0x1;
	_ =	swait.ge [sflag:s4], $0x200  }
0xa: {  	s6 =	simm.s32 $0x200;
	s10 =	ssub.s32 s10, s11;
	[sflag:s4] =	ssyncset.done $0x0  }
0xb: {  	s7 =	simm.s32 $0x1;
	s31 =	smax.u32 s10, $0x1;
	[sflag:s4] =	ssyncadd.s32 $0xFFFFFE00  }
0xc: {  	[tilespmem:s6], [sflag:$0x1] =	stream.indirect.gather [hbm4b:s2+s6], $0x80, s3, s6, $0xb8;
	[tilespmem:$0x10200] =	vst v63  }
0xd: {  	p0 =	sne.s32 s31, $0x1;
	_ =	swait.ge [sflag:s7], $0x10000  }
.Ltmp0:
0xe: {  	s9 =	sshll.u32 s9, $0x4;
	[sflag:s7] =	ssyncset.done $0x0;
	(pc) =	sbr.rel @!p0 .LBB2_2-.Ltmp0, $4  }
0xf: {  	s8 =	sadd.s32 s8, s9;
	[sflag:s7] =	ssyncadd.s32 $0xFFFF0000  }
0x10: {  	[hbm4b:s8+s3] =	stream.linear.scatter [tilespmem:s6], [sflag:$0x2], $0x10000, $0x38;
	[tilespmem:$0x10200] =	vst v63  }
0x11: {  	_ =	swait.ge [sflag:s4], $0x10000  }
0x12: {  	s9 =	sadd.s32 $0xFFFFFFFF, s31;
	[sflag:s4] =	ssyncset.done $0x0  }
.LBB2_1:
0x13: {  	p0 =	sne.s32 s9, $0x1;
	s9 =	sadd.s32 $0xFFFFFFFF, s9;
	[sflag:s4] =	ssyncadd.s32 $0xFFFF0000  }
0x14: {  	[tilespmem:s3], [sflag:$0x2] =	stream.linear.gather [hbm4b:s5+s3], $0x200, $0x38;
	[tilespmem:$0x10200] =	vst v63  }
0x15: {  	_ =	swait.ge [sflag:s4], $0x200  }
0x16: {  	[sflag:s4] =	ssyncset.done $0x0  }
0x17: {  	[sflag:s4] =	ssyncadd.s32 $0xFFFFFE00  }
0x18: {  	[tilespmem:s6], [sflag:$0x1] =	stream.indirect.gather [hbm4b:s2+s6], $0x80, s3, s6, $0xb8;
	[tilespmem:$0x10200] =	vst v63  }
0x19: {  	_ =	swait.ge [sflag:s7], $0x10000  }
.Ltmp1:
0x1a: {  	[sflag:s7] =	ssyncset.done $0x0;
	(pc) =	sbr.rel @p0 .LBB2_1-.Ltmp1, $4  }
0x1b: {  	[sflag:s7] =	ssyncadd.s32 $0xFFFF0000  }
0x1c: {  	[hbm4b:s8+s3] =	stream.linear.scatter [tilespmem:s6], [sflag:$0x2], $0x10000, $0x38;
	[tilespmem:$0x10200] =	vst v63  }
0x1d: {  	_ =	swait.ge [sflag:s4], $0x10000  }
0x1e: {  	[sflag:s4] =	ssyncset.done $0x0  }
.LBB2_2:
0x1f: {  	[sflag:s4] =	ssyncadd.s32 $0xFFFF0000  }
0x20: {  	_ =	sfence.sel $0x180000  }
0x21: {  	[bflag:$0x0] =	sbarrier.arrive $0xFFFF  }
0x22: {  	p0 =	sne.s32 s0, $0x0;
	_ =	strace $0x90000047  }
0x23: {  	s0 =	sadd.s32 @!p0 $0x100000, s1;
	[bflag:$0x2] =	sbarrier.arrive $0xFFFF  }
0x24: {  	[sflag:s0] =	ssyncadd.tile.s32 @!p0 $0x1;
	_ =	shalt  }
.Lfunc_end2:
_tile_overlayer_lowered:
.L_overlay_start_2:
0x25: {  	(tag) =	ssettag $0x2  }
0x26: {  	s0 =	rddreg [dreg:$0x0];
	s2 =	stileid.u32  }
0x27: {  	s1 =	rddreg [dreg:$0x1];
	p0 =	sne.s32 s2, $0x0  }
0x28: {  	s3 =	rddreg [dreg:$0x2];
	[bflag:$0x3] =	sbarrier.arrive $0xFFFF;
	s2 =	simm.s32 @!p0 $0x1C02  }
0x29: {  	[timem:s3], [sflag:s2] =	dma.local @!p0 [hbm:s0], s1  }
0x2a: {  	s0 =	simm.s32 @!p0 $0x2  }
0x2b: {  	_ =	swait.ge @!p0 [sflag:s0], s1  }
0x2c: {  	s1 =	ssub.s32 @!p0 $0x0, s1;
	[sflag:s0] =	ssyncset.done @!p0 $0x0  }
0x2d: {  	[sflag:s0] =	ssyncadd.s32 @!p0 s1  }
0x2e: {  	[bflag:$0x3] =	sbarrier.arrive $0xFFFF  }
0x2f: {  	_ =	shalt  }

</sc_bundles>
